<compile_context>
chip_gen: v7x
topology: tpu7x:2x2x1
jax: 0.10.2.dev20260603
libtpu: 0.0.44.dev20260713+nightly
codegen_flags: <defaults>
</compile_context>

<pallas_src>
import functools

import jax
import jax.numpy as jnp
from jax import lax
from jax.experimental import pallas as pl
from jax.experimental.pallas import tpu as pltpu
from jax.experimental.pallas import tpu_sc as plsc

_N_TOKENS = 8192
_N_CODES = 8192
_D = 64
_BETA = 0.25

_T = 256
_GRID = _N_TOKENS // _T


def _tc_body(z_ref, e_ref, idx_ref, loss_ref):
    z = z_ref[...]
    e = e_ref[...]
    znorm = jnp.sum(z * z, axis=1, keepdims=True)
    enorm = jnp.sum(e * e, axis=1)
    mm = lax.dot_general(z, e, (((1,), (1,)), ((), ())),
                         preferred_element_type=jnp.float32)
    d = (znorm + enorm[None, :]) - 2.0 * mm
    dmin = jnp.min(d, axis=1)
    iota = lax.broadcasted_iota(jnp.int32, d.shape, 1)
    masked = jnp.where(d == dmin[:, None], iota, _N_CODES)
    idx = jnp.min(masked, axis=1)
    idx_ref[0, 0, :] = idx

    @pl.when(pl.program_id(0) == 0)
    def _init():
        loss_ref[0, 0] = 0.0

    loss_ref[0, 0] += jnp.sum(dmin)

    @pl.when(pl.program_id(0) == _GRID - 1)
    def _finish():
        s = loss_ref[0, 0] / jnp.float32(_N_TOKENS * _D)
        loss_ref[0, 0] = _BETA * s + s


def _tc_argmin(z_flat, embedding):
    return pl.pallas_call(
        _tc_body,
        grid=(_GRID,),
        in_specs=[
            pl.BlockSpec((_T, _D), lambda i: (i, 0)),
            pl.BlockSpec((_N_CODES, _D), lambda i: (0, 0)),
        ],
        out_specs=[
            pl.BlockSpec((1, 1, _T), lambda i: (i, 0, 0)),
            pl.BlockSpec((1, 1), lambda i: (0, 0),
                         memory_space=pltpu.MemorySpace.SMEM),
        ],
        out_shape=[
            jax.ShapeDtypeStruct((_GRID, 1, _T), jnp.int32),
            jax.ShapeDtypeStruct((1, 1), jnp.float32),
        ],
    )(z_flat, embedding)


@functools.lru_cache(maxsize=None)
def _sc_gather_st():
    info = plsc.get_sparse_core_info()
    nw = info.num_cores * info.num_subcores
    b_per_w = _N_TOKENS // nw

    def _sc_body(e_hbm, idx_hbm, zp_hbm, out_hbm, idx_v, rows_v, zp_v, sem):
        wid = lax.axis_index("s") * info.num_cores + lax.axis_index("c")
        base = wid * b_per_w
        pltpu.sync_copy(idx_hbm.at[pl.ds(base, b_per_w)], idx_v)
        pltpu.async_copy(e_hbm.at[idx_v], rows_v, sem).wait()
        pltpu.sync_copy(zp_hbm.at[pl.ds(base, b_per_w)], zp_v)

        def _row(r, _):
            for k in range(_D // 16):
                sl = pl.ds(k * 16, 16)
                zq = rows_v[r, sl]
                zp = zp_v[r, sl]
                rows_v[r, sl] = zp + (zq - zp)
            return 0

        lax.fori_loop(0, b_per_w, _row, 0)
        pltpu.sync_copy(rows_v, out_hbm.at[pl.ds(base, b_per_w)])

    return pl.kernel(
        _sc_body,
        out_type=jax.ShapeDtypeStruct((_N_TOKENS, _D), jnp.float32),
        mesh=plsc.VectorSubcoreMesh(core_axis_name="c", subcore_axis_name="s"),
        scratch_types=[
            pltpu.VMEM((b_per_w,), jnp.int32),
            pltpu.VMEM((b_per_w, _D), jnp.float32),
            pltpu.VMEM((b_per_w, _D), jnp.float32),
            pltpu.SemaphoreType.DMA,
        ],
        compiler_params=pltpu.CompilerParams(use_tc_tiling_on_sc=False),
    )


def kernel(z, embedding):
    zp = jnp.transpose(z, (0, 2, 3, 1))
    z_flat = zp.reshape(_N_TOKENS, _D)
    idx3, loss = _tc_argmin(z_flat, embedding)
    indices = idx3.reshape(_N_TOKENS)
    zq_flat = _sc_gather_st()(embedding, indices, z_flat)
    z_q_out = jnp.transpose(zq_flat.reshape(zp.shape), (0, 3, 1, 2))
    return z_q_out, loss[0, 0], indices

# --- scband reference (transcript-rebuilt; emitter-appended) ---
"""Pipeline reference for scband-vector-quantizer-6141803233291 (READ-ONLY COPY).

The authoritative reference and input builder live on the scoring server;
editing this copy changes nothing except your own understanding.
"""

import jax, jax.numpy as jnp
import numpy as np

NUM_TOKENS = 8192
CODEBOOK_DIM = 64
BETA = 0.25


def setup_inputs(seed: int = 0) -> dict:
    key = jax.random.key(seed)
    k1, k2 = jax.random.split(key)
    z = jax.random.normal(k1, (8, 64, 32, 32), dtype=jnp.float32)
    embedding = jax.random.normal(k2, (NUM_TOKENS, CODEBOOK_DIM), dtype=jnp.float32)
    return {"z": z, "embedding": embedding}


def reference(z, embedding):
    # z: [B, C, H, W] -> [B, H, W, C]
    zp = jnp.transpose(z, (0, 2, 3, 1))
    z_flattened = zp.reshape(-1, CODEBOOK_DIM)
    # pairwise squared distances: ||z||^2 + ||e||^2 - 2 z e^T
    d = (jnp.sum(z_flattened ** 2, axis=1, keepdims=True)
         + jnp.sum(embedding ** 2, axis=1)
         - 2.0 * (z_flattened @ embedding.T))
    min_encoding_indices = jnp.argmin(d, axis=1)
    z_q = jnp.take(embedding, min_encoding_indices, axis=0).reshape(zp.shape)
    loss = (BETA * jnp.mean((jax.lax.stop_gradient(z_q) - zp) ** 2)
            + jnp.mean((z_q - jax.lax.stop_gradient(zp)) ** 2))
    # straight-through estimator
    z_q_st = zp + jax.lax.stop_gradient(z_q - zp)
    z_q_out = jnp.transpose(z_q_st, (0, 3, 1, 2))
    return (z_q_out, loss, min_encoding_indices)

if __name__ == "__main__":
    import jax
    _d = setup_inputs()
    print(jax.jit(kernel)(*tuple(_d.values())))

</pallas_src>

<mosaic_0001>
#map = affine_map<(d0, d1) -> (0, 0)>
#map1 = affine_map<(d0, d1) -> (0)>
module attributes {stable_mosaic.version = 14 : i64} {
  func.func @_sc_body(%arg0: i32, %arg1: i32, %arg2: memref<8192x64xf32, #tpu.memory_space<hbm>>, %arg3: memref<8192xi32, #tpu.memory_space<hbm>>, %arg4: memref<8192x64xf32, #tpu.memory_space<hbm>>, %arg5: memref<8192x64xf32, #tpu.memory_space<hbm>>, %arg6: memref<256xi32, #tpu.memory_space<vmem>>, %arg7: memref<256x64xf32, #tpu.memory_space<vmem>>, %arg8: memref<256x64xf32, #tpu.memory_space<vmem>>, %arg9: memref<!tpu.dma_semaphore, #tpu.memory_space<semaphore_mem>>) attributes {dimension_semantics = [#tpu.dimension_semantics<core_parallel>, #tpu.dimension_semantics<subcore_parallel>], iteration_bounds = array<i64: 2, 16>, scalar_prefetch = 0 : i64, scratch_operands = 4 : i64, tpu.core_type = #tpu.core_type<sc_vector_subcore>, window_params = [{transform_indices = #map}, {transform_indices = #map1}, {transform_indices = #map}, {transform_indices = #map}]} {
    %mul3A = arith.constant 2 : i32
    %mul3A_0 = arith.muli %arg1, %mul3A : i32
    %add3A = arith.addi %mul3A_0, %arg0 : i32
    %mul3A_1 = arith.constant 256 : i32
    %mul3A_2 = arith.muli %add3A, %mul3A_1 : i32
    "tpu.region"() ({
      %run_scoped3A = tpu.sem_alloc : memref<!tpu.dma_semaphore, #tpu.memory_space<semaphore_mem>>
      %dma_start3A_13 = tpu.memref_slice %arg3[%mul3A_2] : memref<8192xi32, #tpu.memory_space<hbm>> -> memref<256xi32, #tpu.memory_space<hbm>>
      %dma_start3A_14 = tpu.memref_slice %arg3[%mul3A_2] : memref<8192xi32, #tpu.memory_space<hbm>> -> memref<256xi32, #tpu.memory_space<hbm>>
      tpu.enqueue_dma source(%dma_start3A_14 : memref<256xi32, #tpu.memory_space<hbm>>) target(%arg6 : memref<256xi32, #tpu.memory_space<vmem>>) target_semaphore(%run_scoped3A : memref<!tpu.dma_semaphore, #tpu.memory_space<semaphore_mem>>)
      %dma_wait3A_15 = tpu.memref_slice %arg3[%mul3A_2] : memref<8192xi32, #tpu.memory_space<hbm>> -> memref<256xi32, #tpu.memory_space<hbm>>
      %dma_wait3A_16 = tpu.memref_slice %arg3[%mul3A_2] : memref<8192xi32, #tpu.memory_space<hbm>> -> memref<256xi32, #tpu.memory_space<hbm>>
      tpu.wait_dma2 semaphore(%run_scoped3A : memref<!tpu.dma_semaphore, #tpu.memory_space<semaphore_mem>>) src(%dma_wait3A_16 : memref<256xi32, #tpu.memory_space<hbm>>) dst(%arg6 : memref<256xi32, #tpu.memory_space<vmem>>)
      tpu.yield
    }) : () -> ()
    %dma_start3A = arith.constant 0 : i32
    %dma_start3A_3 = arith.constant 0 : i32
    %dma_start3A_4 = tpu.memref_slice %arg2[%dma_start3A, %dma_start3A_3] : memref<8192x64xf32, #tpu.memory_space<hbm>> -> memref<8192x64xf32, #tpu.memory_space<hbm>>
    tpu.enqueue_indirect_dma source(%dma_start3A_4 : memref<8192x64xf32, #tpu.memory_space<hbm>>) target(%arg7 : memref<256x64xf32, #tpu.memory_space<vmem>>) offsets(%arg6 : memref<256xi32, #tpu.memory_space<vmem>>) semaphore(%arg9 : memref<!tpu.dma_semaphore, #tpu.memory_space<semaphore_mem>>)
    %dma_wait3A = arith.constant 0 : i32
    %dma_wait3A_5 = arith.constant 0 : i32
    %dma_wait3A_6 = tpu.memref_slice %arg2[%dma_wait3A, %dma_wait3A_5] : memref<8192x64xf32, #tpu.memory_space<hbm>> -> memref<8192x64xf32, #tpu.memory_space<hbm>>
    tpu.wait_indirect_dma semaphore(%arg9 : memref<!tpu.dma_semaphore, #tpu.memory_space<semaphore_mem>>) src(%dma_wait3A_6 : memref<8192x64xf32, #tpu.memory_space<hbm>>) dst(%arg7 : memref<256x64xf32, #tpu.memory_space<vmem>>)
    "tpu.region"() ({
      %run_scoped3A = tpu.sem_alloc : memref<!tpu.dma_semaphore, #tpu.memory_space<semaphore_mem>>
      %dma_start3A_13 = arith.constant 0 : i32
      %dma_start3A_14 = tpu.memref_slice %arg4[%mul3A_2, %dma_start3A_13] : memref<8192x64xf32, #tpu.memory_space<hbm>> -> memref<256x64xf32, #tpu.memory_space<hbm>>
      %dma_start3A_15 = arith.constant 0 : i32
      %dma_start3A_16 = tpu.memref_slice %arg4[%mul3A_2, %dma_start3A_15] : memref<8192x64xf32, #tpu.memory_space<hbm>> -> memref<256x64xf32, #tpu.memory_space<hbm>>
      tpu.enqueue_dma source(%dma_start3A_16 : memref<256x64xf32, #tpu.memory_space<hbm>>) target(%arg8 : memref<256x64xf32, #tpu.memory_space<vmem>>) target_semaphore(%run_scoped3A : memref<!tpu.dma_semaphore, #tpu.memory_space<semaphore_mem>>)
      %dma_wait3A_17 = arith.constant 0 : i32
      %dma_wait3A_18 = tpu.memref_slice %arg4[%mul3A_2, %dma_wait3A_17] : memref<8192x64xf32, #tpu.memory_space<hbm>> -> memref<256x64xf32, #tpu.memory_space<hbm>>
      %dma_wait3A_19 = arith.constant 0 : i32
      %dma_wait3A_20 = tpu.memref_slice %arg4[%mul3A_2, %dma_wait3A_19] : memref<8192x64xf32, #tpu.memory_space<hbm>> -> memref<256x64xf32, #tpu.memory_space<hbm>>
      tpu.wait_dma2 semaphore(%run_scoped3A : memref<!tpu.dma_semaphore, #tpu.memory_space<semaphore_mem>>) src(%dma_wait3A_20 : memref<256x64xf32, #tpu.memory_space<hbm>>) dst(%arg8 : memref<256x64xf32, #tpu.memory_space<vmem>>)
      tpu.yield
    }) : () -> ()
    %scan3A = arith.constant 0 : i32
    %scan3A_7 = arith.constant 0 : i32
    %scan3A_8 = arith.constant 256 : i32
    %scan3A_9 = arith.addi %scan3A_7, %scan3A_8 : i32
    %scan3A_10 = arith.constant 1 : i32
    %scan3A_11 = scf.for %scan3A_13 = %scan3A_7 to %scan3A_9 step %scan3A_10 iter_args(%scan3A_14 = %scan3A) -> (i32)  : i32 {
      %get3A = arith.index_cast %scan3A_13 : i32 to index
      %get3A_15 = arith.constant 0 : index
      %get3A_16 = tpu.vector_load %arg7[%get3A, %get3A_15] {strides = array<i32>} : memref<256x64xf32, #tpu.memory_space<vmem>>, vector<1x16xf32>,
      %get3A_17 = vector.shape_cast %get3A_16 : vector<1x16xf32> to vector<16xf32>
      %get3A_18 = arith.index_cast %scan3A_13 : i32 to index
      %get3A_19 = arith.constant 0 : index
      %get3A_20 = tpu.vector_load %arg8[%get3A_18, %get3A_19] {strides = array<i32>} : memref<256x64xf32, #tpu.memory_space<vmem>>, vector<1x16xf32>,
      %get3A_21 = vector.shape_cast %get3A_20 : vector<1x16xf32> to vector<16xf32>
      %sub3A = arith.subf %get3A_17, %get3A_21 : vector<16xf32>
      %add3A_22 = arith.addf %get3A_21, %sub3A : vector<16xf32>
      %swap3A = arith.index_cast %scan3A_13 : i32 to index
      %swap3A_23 = arith.constant 0 : index
      %swap3A_24 = tpu.vector_load %arg7[%swap3A, %swap3A_23] {strides = array<i32>} : memref<256x64xf32, #tpu.memory_space<vmem>>, vector<1x16xf32>,
      %swap3A_25 = vector.shape_cast %swap3A_24 : vector<1x16xf32> to vector<16xf32>
      %swap3A_26 = vector.shape_cast %add3A_22 : vector<16xf32> to vector<1x16xf32>
      tpu.vector_store %arg7[%swap3A, %swap3A_23], %swap3A_26 {strides = array<i32>} : memref<256x64xf32, #tpu.memory_space<vmem>>, vector<1x16xf32>,
      %get3A_27 = arith.index_cast %scan3A_13 : i32 to index
      %get3A_28 = arith.constant 16 : index
      %get3A_29 = tpu.vector_load %arg7[%get3A_27, %get3A_28] {strides = array<i32>} : memref<256x64xf32, #tpu.memory_space<vmem>>, vector<1x16xf32>,
      %get3A_30 = vector.shape_cast %get3A_29 : vector<1x16xf32> to vector<16xf32>
      %get3A_31 = arith.index_cast %scan3A_13 : i32 to index
      %get3A_32 = arith.constant 16 : index
      %get3A_33 = tpu.vector_load %arg8[%get3A_31, %get3A_32] {strides = array<i32>} : memref<256x64xf32, #tpu.memory_space<vmem>>, vector<1x16xf32>,
      %get3A_34 = vector.shape_cast %get3A_33 : vector<1x16xf32> to vector<16xf32>
      %sub3A_35 = arith.subf %get3A_30, %get3A_34 : vector<16xf32>
      %add3A_36 = arith.addf %get3A_34, %sub3A_35 : vector<16xf32>
      %swap3A_37 = arith.index_cast %scan3A_13 : i32 to index
      %swap3A_38 = arith.constant 16 : index
      %swap3A_39 = tpu.vector_load %arg7[%swap3A_37, %swap3A_38] {strides = array<i32>} : memref<256x64xf32, #tpu.memory_space<vmem>>, vector<1x16xf32>,
      %swap3A_40 = vector.shape_cast %swap3A_39 : vector<1x16xf32> to vector<16xf32>
      %swap3A_41 = vector.shape_cast %add3A_36 : vector<16xf32> to vector<1x16xf32>
      tpu.vector_store %arg7[%swap3A_37, %swap3A_38], %swap3A_41 {strides = array<i32>} : memref<256x64xf32, #tpu.memory_space<vmem>>, vector<1x16xf32>,
      %get3A_42 = arith.index_cast %scan3A_13 : i32 to index
      %get3A_43 = arith.constant 32 : index
      %get3A_44 = tpu.vector_load %arg7[%get3A_42, %get3A_43] {strides = array<i32>} : memref<256x64xf32, #tpu.memory_space<vmem>>, vector<1x16xf32>,
      %get3A_45 = vector.shape_cast %get3A_44 : vector<1x16xf32> to vector<16xf32>
      %get3A_46 = arith.index_cast %scan3A_13 : i32 to index
      %get3A_47 = arith.constant 32 : index
      %get3A_48 = tpu.vector_load %arg8[%get3A_46, %get3A_47] {strides = array<i32>} : memref<256x64xf32, #tpu.memory_space<vmem>>, vector<1x16xf32>,
      %get3A_49 = vector.shape_cast %get3A_48 : vector<1x16xf32> to vector<16xf32>
      %sub3A_50 = arith.subf %get3A_45, %get3A_49 : vector<16xf32>
      %add3A_51 = arith.addf %get3A_49, %sub3A_50 : vector<16xf32>
      %swap3A_52 = arith.index_cast %scan3A_13 : i32 to index
      %swap3A_53 = arith.constant 32 : index
      %swap3A_54 = tpu.vector_load %arg7[%swap3A_52, %swap3A_53] {strides = array<i32>} : memref<256x64xf32, #tpu.memory_space<vmem>>, vector<1x16xf32>,
      %swap3A_55 = vector.shape_cast %swap3A_54 : vector<1x16xf32> to vector<16xf32>
      %swap3A_56 = vector.shape_cast %add3A_51 : vector<16xf32> to vector<1x16xf32>
      tpu.vector_store %arg7[%swap3A_52, %swap3A_53], %swap3A_56 {strides = array<i32>} : memref<256x64xf32, #tpu.memory_space<vmem>>, vector<1x16xf32>,
      %get3A_57 = arith.index_cast %scan3A_13 : i32 to index
      %get3A_58 = arith.constant 48 : index
      %get3A_59 = tpu.vector_load %arg7[%get3A_57, %get3A_58] {strides = array<i32>} : memref<256x64xf32, #tpu.memory_space<vmem>>, vector<1x16xf32>,
      %get3A_60 = vector.shape_cast %get3A_59 : vector<1x16xf32> to vector<16xf32>
      %get3A_61 = arith.index_cast %scan3A_13 : i32 to index
      %get3A_62 = arith.constant 48 : index
      %get3A_63 = tpu.vector_load %arg8[%get3A_61, %get3A_62] {strides = array<i32>} : memref<256x64xf32, #tpu.memory_space<vmem>>, vector<1x16xf32>,
      %get3A_64 = vector.shape_cast %get3A_63 : vector<1x16xf32> to vector<16xf32>
      %sub3A_65 = arith.subf %get3A_60, %get3A_64 : vector<16xf32>
      %add3A_66 = arith.addf %get3A_64, %sub3A_65 : vector<16xf32>
      %swap3A_67 = arith.index_cast %scan3A_13 : i32 to index
      %swap3A_68 = arith.constant 48 : index
      %swap3A_69 = tpu.vector_load %arg7[%swap3A_67, %swap3A_68] {strides = array<i32>} : memref<256x64xf32, #tpu.memory_space<vmem>>, vector<1x16xf32>,
      %swap3A_70 = vector.shape_cast %swap3A_69 : vector<1x16xf32> to vector<16xf32>
      %swap3A_71 = vector.shape_cast %add3A_66 : vector<16xf32> to vector<1x16xf32>
      tpu.vector_store %arg7[%swap3A_67, %swap3A_68], %swap3A_71 {strides = array<i32>} : memref<256x64xf32, #tpu.memory_space<vmem>>, vector<1x16xf32>,
      %scan3A_72 = arith.constant 0 : i32
      scf.yield %scan3A_72 : i32
    }
    %scan3A_12 = arith.constant 256 : i32
    "tpu.region"() ({
      %run_scoped3A = tpu.sem_alloc : memref<!tpu.dma_semaphore, #tpu.memory_space<semaphore_mem>>
      %dma_start3A_13 = arith.constant 0 : i32
      %dma_start3A_14 = tpu.memref_slice %arg5[%mul3A_2, %dma_start3A_13] : memref<8192x64xf32, #tpu.memory_space<hbm>> -> memref<256x64xf32, #tpu.memory_space<hbm>>
      %dma_start3A_15 = arith.constant 0 : i32
      %dma_start3A_16 = tpu.memref_slice %arg5[%mul3A_2, %dma_start3A_15] : memref<8192x64xf32, #tpu.memory_space<hbm>> -> memref<256x64xf32, #tpu.memory_space<hbm>>
      tpu.enqueue_dma source(%arg7 : memref<256x64xf32, #tpu.memory_space<vmem>>) target(%dma_start3A_16 : memref<256x64xf32, #tpu.memory_space<hbm>>) target_semaphore(%run_scoped3A : memref<!tpu.dma_semaphore, #tpu.memory_space<semaphore_mem>>)
      %dma_wait3A_17 = arith.constant 0 : i32
      %dma_wait3A_18 = tpu.memref_slice %arg5[%mul3A_2, %dma_wait3A_17] : memref<8192x64xf32, #tpu.memory_space<hbm>> -> memref<256x64xf32, #tpu.memory_space<hbm>>
      %dma_wait3A_19 = arith.constant 0 : i32
      %dma_wait3A_20 = tpu.memref_slice %arg5[%mul3A_2, %dma_wait3A_19] : memref<8192x64xf32, #tpu.memory_space<hbm>> -> memref<256x64xf32, #tpu.memory_space<hbm>>
      tpu.wait_dma2 semaphore(%run_scoped3A : memref<!tpu.dma_semaphore, #tpu.memory_space<semaphore_mem>>) src(%arg7 : memref<256x64xf32, #tpu.memory_space<vmem>>) dst(%dma_wait3A_20 : memref<256x64xf32, #tpu.memory_space<hbm>>)
      tpu.yield
    }) : () -> ()
    return
  }
}

module attributes {stable_mosaic.version = 14 : i64} {
  func.func @_tc_body(%arg0: i32, %arg1: memref<256x64xf32, #tpu.memory_space<vmem>>, %arg2: memref<8192x64xf32, #tpu.memory_space<vmem>>, %arg3: memref<1x1x256xi32, #tpu.memory_space<vmem>>, %arg4: memref<1x1xf32, #tpu.memory_space<smem>>) attributes {dimension_semantics = [#tpu.dimension_semantics<arbitrary>], iteration_bounds = array<i64: 32>, scalar_prefetch = 0 : i64, scratch_operands = 0 : i64, tpu.core_type = #tpu.core_type<tc>, window_params = [{transform_indices = @transform_0, window_bounds = array<i64: 256, 64>}, {pipeline_mode = #tpu.pipeline_mode<synchronous>, transform_indices = @transform_1, window_bounds = array<i64: 8192, 64>}, {transform_indices = @transform_2, window_bounds = array<i64: 1, 1, 256>}, {transform_indices = @transform_3, window_bounds = array<i64: 1, 1>}]} {
    %get3A = arith.constant 0 : index
    %get3A_0 = arith.constant 0 : index
    %get3A_1 = vector.load %arg1[%get3A, %get3A_0] : memref<256x64xf32, #tpu.memory_space<vmem>>, vector<256x64xf32>
    %get3A_2 = arith.constant 0 : index
    %get3A_3 = arith.constant 0 : index
    %get3A_4 = vector.load %arg2[%get3A_2, %get3A_3] : memref<8192x64xf32, #tpu.memory_space<vmem>>, vector<8192x64xf32>
    %mul3A = arith.mulf %get3A_1, %get3A_1 : vector<256x64xf32>
    %reduce_sum3A = arith.constant dense<0.000000e+00> : vector<256xf32>
    %reduce_sum3A_5 = vector.multi_reduction <add>, %mul3A, %reduce_sum3A [1] : vector<256x64xf32> to vector<256xf32>
    %broadcast_in_dim3A = vector.shape_cast %reduce_sum3A_5 : vector<256xf32> to vector<256x1xf32>
    %mul3A_6 = arith.mulf %get3A_4, %get3A_4 : vector<8192x64xf32>
    %reduce_sum3A_7 = arith.constant dense<0.000000e+00> : vector<8192xf32>
    %reduce_sum3A_8 = vector.multi_reduction <add>, %mul3A_6, %reduce_sum3A_7 [1] : vector<8192x64xf32> to vector<8192xf32>
    %dot_general3A = arith.constant dense<0.000000e+00> : vector<256x8192xf32>
    %dot_general3A_9 = tpu.matmul %get3A_1, %get3A_4, %dot_general3A {dimension_numbers = #tpu.dot_dimension_numbers<[1], [1], [0], [0], [0, 0, 1, 0], [], []>, transpose_lhs_hint = false} : vector<256x64xf32>, vector<8192x64xf32>, vector<256x8192xf32> -> vector<256x8192xf32>
    %broadcast_in_dim3A_10 = vector.shape_cast %reduce_sum3A_8 : vector<8192xf32> to vector<1x8192xf32>
    %add3A = vector.broadcast %broadcast_in_dim3A : vector<256x1xf32> to vector<256x8192xf32>
    %add3A_11 = vector.broadcast %broadcast_in_dim3A_10 : vector<1x8192xf32> to vector<256x8192xf32>
    %add3A_12 = arith.addf %add3A, %add3A_11 : vector<256x8192xf32>
    %mul3A_13 = arith.constant 2.000000e+00 : f32
    %mul3A_14 = vector.broadcast %mul3A_13 : f32 to vector<256x8192xf32>
    %mul3A_15 = arith.mulf %mul3A_14, %dot_general3A_9 : vector<256x8192xf32>
    %sub3A = arith.subf %add3A_12, %mul3A_15 : vector<256x8192xf32>
    %reduce_min3A = arith.constant dense<0x7F800000> : vector<256xf32>
    %reduce_min3A_16 = vector.multi_reduction <minimumf>, %sub3A, %reduce_min3A [1] : vector<256x8192xf32> to vector<256xf32>
    %iota3A = tpu.iota {dimensions = array<i32: 1>} : vector<256x8192xi32>
    %broadcast_in_dim3A_17 = vector.shape_cast %reduce_min3A_16 : vector<256xf32> to vector<256x1xf32>
    %eq3A = vector.broadcast %broadcast_in_dim3A_17 : vector<256x1xf32> to vector<256x8192xf32>
    %eq3A_18 = arith.cmpf oeq, %sub3A, %eq3A : vector<256x8192xf32>
    %jit3A = arith.constant 8192 : i32
    %broadcast_in_dim3A_19 = vector.broadcast %jit3A : i32 to vector<256x8192xi32>
    %select_n3A = arith.select %eq3A_18, %iota3A, %broadcast_in_dim3A_19 : vector<256x8192xi1>, vector<256x8192xi32>
    %reduce_min3A_20 = arith.constant dense<2147483647> : vector<256xi32>
    %reduce_min3A_21 = vector.multi_reduction <minsi>, %select_n3A, %reduce_min3A_20 [1] : vector<256x8192xi32> to vector<256xi32>
    %swap3A = arith.constant 0 : index
    %swap3A_22 = arith.constant 0 : index
    %swap3A_23 = arith.constant 0 : index
    %swap3A_24 = vector.load %arg3[%swap3A, %swap3A_22, %swap3A_23] : memref<1x1x256xi32, #tpu.memory_space<vmem>>, vector<1x1x256xi32>
    %swap3A_25 = vector.shape_cast %swap3A_24 : vector<1x1x256xi32> to vector<256xi32>
    %swap3A_26 = vector.shape_cast %reduce_min3A_21 : vector<256xi32> to vector<1x1x256xi32>
    tpu.vector_store %arg3[%swap3A, %swap3A_22, %swap3A_23], %swap3A_26 {strides = array<i32>} : memref<1x1x256xi32, #tpu.memory_space<vmem>>, vector<1x1x256xi32>,
    %eq3A_27 = arith.constant 0 : i32
    %eq3A_28 = arith.cmpi eq, %arg0, %eq3A_27 : i32
    %convert_element_type3A = arith.extui %eq3A_28 : i1 to i32
    %cond3A = arith.constant 0 : i32
    %cond3A_29 = arith.cmpi ne, %convert_element_type3A, %cond3A : i32
    scf.if %cond3A_29 {
      %swap3A_47 = arith.constant 0.000000e+00 : f32
      %swap3A_48 = arith.constant 0 : index
      %swap3A_49 = arith.constant 0 : index
      %swap3A_50 = memref.load %arg4[%swap3A_48, %swap3A_49] : memref<1x1xf32, #tpu.memory_space<smem>>
      memref.store %swap3A_47, %arg4[%swap3A_48, %swap3A_49] : memref<1x1xf32, #tpu.memory_space<smem>>
    } else {
    }
    %get3A_30 = arith.constant 0 : index
    %get3A_31 = arith.constant 0 : index
    %get3A_32 = memref.load %arg4[%get3A_30, %get3A_31] : memref<1x1xf32, #tpu.memory_space<smem>>
    %reduce_sum3A_33 = vector.shape_cast %reduce_min3A_16 : vector<256xf32> to vector<1x256xf32>
    %reduce_sum3A_34 = arith.constant dense<0.000000e+00> : vector<1xf32>
    %reduce_sum3A_35 = vector.multi_reduction <add>, %reduce_sum3A_33, %reduce_sum3A_34 [1] : vector<1x256xf32> to vector<1xf32>
    %reduce_sum3A_36 = vector.shape_cast %reduce_sum3A_35 : vector<1xf32> to vector<1x1xf32>
    %reduce_sum3A_37 = vector.extract %reduce_sum3A_36[0, 0] : f32 from vector<1x1xf32>
    %add3A_38 = arith.addf %get3A_32, %reduce_sum3A_37 : f32
    %swap3A_39 = arith.constant 0 : index
    %swap3A_40 = arith.constant 0 : index
    %swap3A_41 = memref.load %arg4[%swap3A_39, %swap3A_40] : memref<1x1xf32, #tpu.memory_space<smem>>
    memref.store %add3A_38, %arg4[%swap3A_39, %swap3A_40] : memref<1x1xf32, #tpu.memory_space<smem>>
    %eq3A_42 = arith.constant 31 : i32
    %eq3A_43 = arith.cmpi eq, %arg0, %eq3A_42 : i32
    %convert_element_type3A_44 = arith.extui %eq3A_43 : i1 to i32
    %cond3A_45 = arith.constant 0 : i32
    %cond3A_46 = arith.cmpi ne, %convert_element_type3A_44, %cond3A_45 : i32
    scf.if %cond3A_46 {
      %get3A_47 = arith.constant 0 : index
      %get3A_48 = arith.constant 0 : index
      %get3A_49 = memref.load %arg4[%get3A_47, %get3A_48] : memref<1x1xf32, #tpu.memory_space<smem>>
      %div3A = arith.constant 5.242880e+05 : f32
      %div3A_50 = arith.divf %get3A_49, %div3A : f32
      %mul3A_51 = arith.constant 2.500000e-01 : f32
      %mul3A_52 = arith.mulf %mul3A_51, %div3A_50 : f32
      %add3A_53 = arith.addf %mul3A_52, %div3A_50 : f32
      %swap3A_54 = arith.constant 0 : index
      %swap3A_55 = arith.constant 0 : index
      %swap3A_56 = memref.load %arg4[%swap3A_54, %swap3A_55] : memref<1x1xf32, #tpu.memory_space<smem>>
      memref.store %add3A_53, %arg4[%swap3A_54, %swap3A_55] : memref<1x1xf32, #tpu.memory_space<smem>>
    } else {
    }
    return
  }
  func.func @transform_0(%arg0: i32) -> (i32, i32) {
    %c0_i32 = arith.constant 0 : i32
    %c0_i32_0 = arith.constant 0 : i32
    return %arg0, %c0_i32 : i32, i32
  }
  func.func @transform_1(%arg0: i32) -> (i32, i32) {
    %c0_i32 = arith.constant 0 : i32
    %c0_i32_0 = arith.constant 0 : i32
    %c0_i32_1 = arith.constant 0 : i32
    return %c0_i32, %c0_i32_0 : i32, i32
  }
  func.func @transform_2(%arg0: i32) -> (i32, i32, i32) {
    %c0_i32 = arith.constant 0 : i32
    %c0_i32_0 = arith.constant 0 : i32
    %c0_i32_1 = arith.constant 0 : i32
    return %arg0, %c0_i32, %c0_i32_0 : i32, i32, i32
  }
  func.func @transform_3(%arg0: i32) -> (i32, i32) {
    %c0_i32 = arith.constant 0 : i32
    %c0_i32_0 = arith.constant 0 : i32
    %c0_i32_1 = arith.constant 0 : i32
    return %c0_i32, %c0_i32_0 : i32, i32
  }
}

</mosaic_0001>

<sc_bundles>
// kernel: kernel.4.cloned.1.call-start
scs
__scs_entry_jumppad:
0x0: {  	(pc) =	sbr.rel $0x88, $3  }
0x1: {  	(tag) =	ssettag $0x0;
	lr =	simm.s32 $0x1  }
0x2: {  	[smem:$0x3F9F] =	sst lr;
	_ =	strace $0xD0000000  }
0x3: {  	_ = 	snop  }
0x4: {  	_ = 	snop  }
0x5: {  	_ = 	snop  }
0x6: {  	_ = 	snop  }
0x7: {  	_ = 	snop  }
__scs_overlays_trampoline_lowered:
0x8: {  	[smem:$0x3FAE] =	sst s0  }
0x9: {  	[smem:$0x3FAF] =	sst s1  }
0xa: {  	[smem:$0x3FB0] =	sst s2  }
0xb: {  	[smem:$0x3FB1] =	sst s3  }
0xc: {  	[smem:$0x3FB2] =	sst s4  }
0xd: {  	[smem:$0x3FB3] =	sst s5  }
0xe: {  	[smem:$0x3FB4] =	sst s6  }
0xf: {  	[smem:$0x3FB5] =	sst s7  }
0x10: {  	[smem:$0x3FB6] =	sst s8  }
0x11: {  	[smem:$0x3FB7] =	sst s9;
	s0 =	simm.s32 @!p0 $0x0  }
0x12: {  	s1 =	sld [smem:$0x3F9D];
	s0 =	simm.s32 @p0 $0x1  }
0x13: {  	[smem:$0x3FB8] =	sst s0;
	s0 =	simm.s32 @!p1 $0x0  }
0x14: {  	s2 =	sld [smem:$0x3F9C];
	s0 =	simm.s32 @p1 $0x1  }
0x15: {  	[smem:$0x3FB9] =	sst s0;
	s0 =	simm.s32 @!p2 $0x0  }
0x16: {  	s3 =	sld [smem:$0x3FDB];
	s0 =	simm.s32 @p2 $0x1  }
0x17: {  	s4 =	simm.s32 $0x1BF5;
	[smem:$0x3FBB] =	sst s0  }
0x18: {  	s0 =	sld [smem:$0x3F9E];
	_ =	swait.ge [sflag:s4], $0x0  }
0x19: {  	s7 =	sld [smem:$0x3F9F]  }
0x1a: {  	s8 =	sadd.s32 $0xFFFFE003, lr  }
0x1b: {  	s9 =	sadd.s32 $0xFFFFFEF7, lr;
	s5 =	simm.s32 $0xFFFFFFFF;
	p2 =	slt.u32 s8, $0xFFFFF086  }
0x1c: {  	p1 =	slt.u32 s9, $0xF7A;
	s5 =	simm.s32 @!p2 $0x0  }
0x1d: {  	s5 =	simm.s32 @p1 $0x1;
	p0 =	seq.s32 s7, s2  }
0x1e: {  	s7 =	smul.u32 @!p0 $0xF7A, s2;
	p2 =	seq.s32 @!p0 s5, $0x0  }
0x1f: {  	s9 =	smul.u32 $0xF7A, s1;
	s8 =	simm.s32 @!p0 $0x1BF5;
	p2 =	por !p2, p0  }
0x20: {  	[sflag:s8] =	ssyncset.s32 @!p0 $0xFFFFF086;
	s6 =	sadd.s32 @!p0 s3, s7;
	s7 =	simm.s32 @!p0 $0x108  }
0x21: {  	s3 =	sadd.s32 s3, s9;
	s6 =	sadd.s32 @!p0 $0x88, s6;
	s7 =	simm.s32 @p2 $0x1082  }
0x22: {  	[simem:s7], [sflag:s8] =	dma.local @!p0 [hbm:s6], $0xF7A  }
0x23: {  	s9 =	sor.u32 $0xD0000000, s2;
	s6 =	simm.s32 $0x108;
	_ =	swait.ge @!p0 [sflag:s8], $0x0  }
0x24: {  	s3 =	sadd.s32 $0x88, s3;
	s6 =	simm.s32 @!p1 $0x1082;
	[sflag:s4] =	ssyncset.s32 $0xFFFFF086  }
0x25: {  	[simem:s6], [sflag:s4] =	dma.local [hbm:s3], $0xF7A  }
0x26: {  	[smem:$0x3F9F] =	sst s1;
	(tag) =	ssettag s2;
	_ =	strace s9  }
0x27: {  	s1 =	sld [smem:$0x3FAF]  }
0x28: {  	s2 =	sld [smem:$0x3FB0]  }
0x29: {  	s4 =	sld [smem:$0x3FB2]  }
0x2a: {  	p0 =	seq.s32 s5, $0x0;
	s5 =	sld [smem:$0x3FB3]  }
0x2b: {  	s6 =	sld [smem:$0x3FB4]  }
0x2c: {  	s7 =	sld [smem:$0x3FB5]  }
0x2d: {  	s3 =	simm.s32 $0x108;
	s8 =	sld [smem:$0x3FB6]  }
0x2e: {  	s3 =	simm.s32 @!p0 $0x1082;
	s9 =	sld [smem:$0x3FB7]  }
0x2f: {  	lr =	sadd.s32 s0, s3;
	s0 =	sld [smem:$0x3FAE]  }
0x30: {  	s3 =	sld [smem:$0x3FB1]  }
0x31: {  	[smem:$0x3FBA] =	sst s10  }
0x32: {  	s10 =	sld [smem:$0x3FB8];
	_ =	sdelay $0x3  }
0x33: {  	p0 =	seq.s32 s10, $0x1;
	s10 =	sld [smem:$0x3FBA];
	_ =	sdelay $0x3  }
0x34: {  	[smem:$0x3FBA] =	sst s10  }
0x35: {  	s10 =	sld [smem:$0x3FB9];
	_ =	sdelay $0x3  }
0x36: {  	p1 =	seq.s32 s10, $0x1;
	s10 =	sld [smem:$0x3FBA];
	_ =	sdelay $0x3  }
0x37: {  	[smem:$0x3FBA] =	sst s10  }
0x38: {  	s10 =	sld [smem:$0x3FBB]  }
0x39: {  	_ = 	snop;
	(pc) =	sbr.ind lr, $3  }
0x3a: {  	_ = 	snop  }
0x3b: {  	_ = 	snop  }
0x3c: {  	p2 =	seq.s32 s10, $0x1;
	s10 =	sld [smem:$0x3FBA]  }
0x3d: {  	_ =	shalt  }
0x3e: {  	_ =	shalt  }
0x3f: {  	_ =	shalt  }
0x40: {  	_ =	shalt  }
0x41: {  	_ =	shalt  }
0x42: {  	_ =	shalt  }
0x43: {  	_ =	shalt  }
0x44: {  	_ =	shalt  }
0x45: {  	_ =	shalt  }
0x46: {  	_ =	shalt  }
0x47: {  	_ =	shalt  }
0x48: {  	_ =	shalt  }
0x49: {  	_ =	shalt  }
0x4a: {  	_ =	shalt  }
0x4b: {  	_ =	shalt  }
0x4c: {  	_ =	shalt  }
0x4d: {  	_ =	shalt  }
0x4e: {  	_ =	shalt  }
0x4f: {  	_ =	shalt  }
0x50: {  	_ =	shalt  }
0x51: {  	_ =	shalt  }
0x52: {  	_ =	shalt  }
0x53: {  	_ =	shalt  }
0x54: {  	_ =	shalt  }
0x55: {  	_ =	shalt  }
0x56: {  	_ =	shalt  }
0x57: {  	_ =	shalt  }
0x58: {  	_ =	shalt  }
0x59: {  	_ =	shalt  }
0x5a: {  	_ =	shalt  }
0x5b: {  	_ =	shalt  }
0x5c: {  	_ =	shalt  }
0x5d: {  	_ =	shalt  }
0x5e: {  	_ =	shalt  }
0x5f: {  	_ =	shalt  }
0x60: {  	_ =	shalt  }
0x61: {  	_ =	shalt  }
0x62: {  	_ =	shalt  }
0x63: {  	_ =	shalt  }
0x64: {  	_ =	shalt  }
0x65: {  	_ =	shalt  }
0x66: {  	_ =	shalt  }
0x67: {  	_ =	shalt  }
0x68: {  	_ =	shalt  }
0x69: {  	_ =	shalt  }
0x6a: {  	_ =	shalt  }
0x6b: {  	_ =	shalt  }
0x6c: {  	_ =	shalt  }
0x6d: {  	_ =	shalt  }
0x6e: {  	_ =	shalt  }
0x6f: {  	_ =	shalt  }
0x70: {  	_ =	shalt  }
0x71: {  	_ =	shalt  }
0x72: {  	_ =	shalt  }
0x73: {  	_ =	shalt  }
0x74: {  	_ =	shalt  }
0x75: {  	_ =	shalt  }
0x76: {  	_ =	shalt  }
0x77: {  	_ =	shalt  }
0x78: {  	_ =	shalt  }
0x79: {  	_ =	shalt  }
0x7a: {  	_ =	shalt  }
0x7b: {  	_ =	shalt  }
0x7c: {  	_ =	shalt  }
0x7d: {  	_ =	shalt  }
0x7e: {  	_ =	shalt  }
0x7f: {  	_ =	shalt  }
0x80: {  	_ =	shalt  }
0x81: {  	_ =	shalt  }
0x82: {  	_ =	shalt  }
0x83: {  	_ =	shalt  }
0x84: {  	_ =	shalt  }
0x85: {  	_ =	shalt  }
0x86: {  	_ =	shalt  }
0x87: {  	_ =	shalt  }
.Lfunc_end0:
.L_simem_size_0:
called_computation_lowered:
.L_overlay_start_0:
0x88: {  	s2 =	sld [smem:$0x3FD9]  }
0x89: {  	s3 =	sld [smem:$0x3FFE];
	_ =	sdelay $0x1  }
0x8a: {  	s1 =	srdreg.scid  }
0x8b: {  	s0 =	sand.u32 $0x1, s1  }
0x8c: {  	s14 =	sshll.u32 s0, $0xA;
	s2 =	sadd.s32 s3, s2  }
0x8d: {  	s2 =	sadd.s32 s2, s14  }
0x8e: {  	[smem:$0x3FC6] =	sst s2  }
0x8f: {  	_ = 	snop  }
0x90: {  	s2 =	sld [smem:$0x3FD0];
	_ =	sdelay $0x2  }
0x91: {  	s15 =	simm.s32 $0xA;
	s4 =	simm.s32 $0x10  }
0x92: {  	[smem:s4], [sflag:s15] =	dma.local [hbm:s2], $0x1  }
0x93: {  	_ =	swait.eq [sflag:s15], $0x1  }
0x94: {  	[sflag:s15] =	ssyncset.done $0x0  }
0x95: {  	s16 =	sld [smem:$0x10];
	[sflag:s15] =	ssyncadd.s32 $0xFFFFFFFF  }
0x96: {  	s17 =	sld [smem:$0x12];
	(tm) =	ssettm $0x1  }
0x97: {  	s18 =	sld [smem:$0x3FFB];
	_ =	sdelay $0x3  }
0x98: {  	_ =	strace s18  }
0x99: {  	s4 =	sld [smem:$0x3FFC];
	_ =	sdelay $0x3  }
0x9a: {  	_ =	strace s4  }
0x9b: {  	s4 =	sld [smem:$0x3FFD];
	_ =	sdelay $0x3  }
0x9c: {  	_ =	strace s4  }
0x9d: {  	_ =	strace $0x8FFFFFFF  }
0x9e: {  	s19 =	sld [smem:$0x3FDB];
	_ =	sdelay $0x1  }
0x9f: {  	s5 =	simm.s32 $_scs_section_size  }
0xa0: {  	s6 =	simm.s32 $_size__tile_overlayer_lowered;
	s7 =	simm.s32 $_tile_overlayer_lowered  }
0xa1: {  	s22 =	simm.s32 $0x1BFF;
	s21 =	sshll.u32 s7, $0x1;
	s4 =	sadd.s32 s5, s19  }
0xa2: {  	s8 =	simm.s32 $0x0;
	s20 =	sshll.u32 s6, $0x1;
	s6 =	sadd.s32 s21, s4  }
0xa3: {  	[timem:s8], [sflag:s22] =	dma.local [hbm:s6], s20  }
0xa4: {  	_ =	swait.ge [sflag:s22], s20  }
0xa5: {  	s5 =	ssub.s32 $0x0, s20;
	[sflag:s22] =	ssyncset.done $0x0  }
0xa6: {  	[sflag:s22] =	ssyncadd.s32 s5;
	_ =	sdelay $0x1  }
0xa7: {  	s23 =	simm.s32 $0x1B8B  }
0xa8: {  	_ =	swait.ge [sflag:s23], $0x1  }
0xa9: {  	[sflag:s23] =	ssyncset.done $0x0  }
0xaa: {  	s25 =	simm.s32 $0x1B8E;
	s24 =	sld [smem:$0x3FFE];
	[sflag:s23] =	ssyncadd.s32 $0xFFFFFFFF  }
0xab: {  	s26 =	simm.s32 $execute0_lowered;
	[smem:$0x3FD2] =	sst s25  }
0xac: {  	s6 =	sshll.u32 s26, $0x1;
	_ =	strace $0x80000046;
	[dreg:$0x1] =	wrdreg $0xFFFFFFFF  }
0xad: {  	s28 =	simm.s32 $_size_execute0_lowered;
	s4 =	sadd.s32 s4, s6;
	[dreg:$0x0] =	wrdreg $0x0  }
0xae: {  	s6 =	sshll.u32 s28, $0x1;
	[dreg:$0x2] =	wrdreg s4  }
0xaf: {  	[dreg:$0x3] =	wrdreg s6  }
0xb0: {  	[dreg:$0x4] =	wrdreg $0xC0  }
0xb1: {  	_ =	task [dreg:s8], $0x5FFFF  }
0xb2: {  	[dreg:$0x1] =	wrdreg $0xFFFFFFFF  }
0xb3: {  	[dreg:$0x0] =	wrdreg $0x60  }
0xb4: {  	[dreg:$0x2] =	wrdreg s16  }
0xb5: {  	[dreg:$0x3] =	wrdreg s17  }
0xb6: {  	[dreg:$0x4] =	wrdreg s24  }
0xb7: {  	[dreg:$0x5] =	wrdreg $0x9  }
0xb8: {  	_ =	task.clear_ibuf [dreg:s8], $0x6FFFF;
	_ =	strace $0x90000046  }
0xb9: {  	s29 =	simm.s32 $0x9;
	_ =	strace $0x80000048  }
0xba: {  	_ =	swait.ge [sflag:s29], $0x1  }
0xbb: {  	[sflag:s29] =	ssyncadd.s32 $0xFFFFFFFF  }
0xbc: {  	_ =	strace $0x90000048  }
0xbd: {  	_ =	sfence  }
0xbe: {  	s30 =	sld [smem:$0x0];
	_ =	sdelay $0x2  }
0xbf: {  	s31 =	sshll.u32 s1, $0xD;
	s1 =	sshrl.u32 s1, $0x2  }
0xc0: {  	s3 =	sand.u32 $0x4000, s31;
	s1 =	sadd.s32 s1, s30  }
0xc1: {  	s0 =	sor.u32 s3, s0;
	s1 =	sshll.u32 s1, $0x11  }
0xc2: {  	s0 =	sor.u32 s1, s0  }
0xc3: {  	s0 =	sadd.s32 $0x8F2B, s0  }
0xc4: {  	[sflag:s0] =	ssyncadd.remote.s32 $0x1  }
0xc5: {  	_ =	sfence.sel $0xFFFF  }
0xc6: {  	[dreg:$0x0] =	wrdreg $0xFFFFFFFF;
	(pc) =	sbr.abs _section_cstart, $3  }
0xc7: {  	[dreg:$0x1] =	wrdreg $0xFFFFFFFF  }
0xc8: {  	_ =	task.clear_ibuf [dreg:s8], $0x2FFFF;
	_ =	strace $0x9FFFFFFF  }
0xc9: {  	(tm) =	ssettm $0x7FFFFFFF  }
tec
execute0_lowered:
.L_overlay_start_1:
0x0: {  	(tag) =	ssettag $0x1  }
0x1: {  	s1 =	rddreg [dreg:$0x0]  }
0x2: {  	s4 =	rddreg [dreg:$0x1]  }
0x3: {  	s5 =	rddreg [dreg:$0x2];
	s3 =	srdreg.scid  }
0x4: {  	s0 =	rddreg [dreg:$0x3];
	s2 =	stileid.u32;
	s10 =	simm.s32 $0x1  }
0x5: {  	s11 =	simm.s32 $0x4100;
	s12 =	simm.s32 $0x0;
	s6 =	sand.u32 $0x1, s3  }
0x6: {  	s3 =	simm.s32 $0x0;
	s7 =	sshll.u32 s2, $0x9;
	s8 =	sshll.u32 s6, $0x8  }
0x7: {  	[smem:$0x7FF] =	sst s3;
	s6 =	ssub.s32 $0x2, s6;
	s7 =	sor.u32 s8, s7  }
0x8: {  	_ =	strace $0x80000047;
	s9 =	sshrl.u32 s6, $0x1;
	s8 =	sshll.u32 s7, $0x3  }
0x9: {  	s9 =	ssub.s32 s6, s9;
	s31 =	sshrl.u32 s7, $0x3;
	s8 =	sadd.s32 s8, s5  }
0xa: {  	s4 =	sadd.s32 s4, s31;
	s7 =	smax.u32 s9, $0x1;
	s9 =	simm.s32 $0x100  }
0xb: {  	s5 =	sadd.s32 $0x800, s8;
	s6 =	sadd.s32 $0x10800, s8;
	s8 =	simm.s32 $0x2  }
.LBB2_1:
0xc: {  	[tilespmem:s3], [sflag:$0x2] =	stream.linear.gather [hbm4b:s4+s3], $0x100, $0x38;
	[tilespmem:$0x8100] =	vst v63  }
0xd: {  	_ =	swait.ge [sflag:s8], $0x100  }
0xe: {  	[sflag:s8] =	ssyncset.done $0x0  }
0xf: {  	[sflag:s8] =	ssyncadd.s32 $0xFFFFFF00  }
0x10: {  	[tilespmem:s9], [sflag:$0x1] =	stream.indirect.gather [hbm4b:s1+s9], $0x40, s3, s9, $0xb8;
	[tilespmem:$0x8100] =	vst v63  }
0x11: {  	_ =	swait.ge [sflag:s10], $0x4000  }
0x12: {  	[sflag:s10] =	ssyncset.done $0x0  }
0x13: {  	[sflag:s10] =	ssyncadd.s32 $0xFFFFC000  }
0x14: {  	[tilespmem:s11], [sflag:$0x2] =	stream.linear.gather [hbm4b:s5+s3], $0x4000, $0x38;
	[tilespmem:$0x8100] =	vst v63  }
0x15: {  	_ =	swait.ge [sflag:s8], $0x4000  }
0x16: {  	[sflag:s8] =	ssyncset.done $0x0  }
0x17: {  	s13 =	simm.s32 $0x0;
	[sflag:s8] =	ssyncadd.s32 $0xFFFFC000  }
0x18: {  	v2 =	vld [tilespmem:s13+$0x4100]  }
0x19: {  	v3 =	vld [tilespmem:s13+$0x4110]  }
0x1a: {  	v0 =	vld [tilespmem:s13+$0x4120]  }
0x1b: {  	v1 =	vld [tilespmem:s13+$0x4130]  }
0x1c: {  	v4 =	vld [tilespmem:s13+$0x100]  }
0x1d: {  	v6 =	vld [tilespmem:s13+$0x110]  }
0x1e: {  	s14 =	simm.s32 $0x100;
	v5 =	vld [tilespmem:s13+$0x120]  }
.LBB2_2:
0x1f: {  	p0 =	sne.s32 s14, $0xFF00;
	v7 =	vld [tilespmem:s13+$0x130];
	v8 =	vmov v0  }
0x20: {  	v9 =	vmov v1  }
0x21: {  	s15 =	sshra.s32 s14, $0x2;
	v0 =	vsub.f32 v4, v2  }
0x22: {  	v10 =	vld [tilespmem:s15+$0x4100];
	v1 =	vsub.f32 v6, v3  }
0x23: {  	v11 =	vld [tilespmem:s15+$0x4110];
	v2 =	vadd.f32 v0, v2;
	v4 =	vsub.f32 v5, v8  }
.Ltmp0:
0x24: {  	v0 =	vld [tilespmem:s15+$0x4120];
	v3 =	vadd.f32 v1, v3;
	v5 =	vsub.f32 v7, v9;
	(pc) =	sbr.rel @p0 .LBB2_2-.Ltmp0, $4  }
0x25: {  	v1 =	vld [tilespmem:s15+$0x4130];
	[tilespmem:s13+$0x100] =	vst v2;
	v7 =	vadd.f32 v4, v8  }
0x26: {  	v4 =	vld [tilespmem:s15+$0x100];
	[tilespmem:s13+$0x110] =	vst v3;
	v8 =	vadd.f32 v5, v9  }
0x27: {  	v6 =	vld [tilespmem:s15+$0x110];
	[tilespmem:s13+$0x120] =	vst v7;
	v2 =	vmov v10  }
0x28: {  	s14 =	sadd.s32 $0x100, s14;
	v5 =	vld [tilespmem:s15+$0x120];
	[tilespmem:s13+$0x130] =	vst v8;
	v3 =	vmov v11;
	s13 =	smov.u32 s15  }
0x29: {  	v7 =	vld [tilespmem:s13+$0x130];
	_ =	sdelay $0x1  }
0x2a: {  	v4 =	vsub.f32 v4, v2  }
0x2b: {  	v6 =	vsub.f32 v6, v3  }
0x2c: {  	v2 =	vadd.f32 v4, v2;
	v62 =	vsub.f32 v5, v0  }
0x2d: {  	v3 =	vadd.f32 v6, v3;
	v63 =	vsub.f32 v7, v1  }
0x2e: {  	[tilespmem:s13+$0x100] =	vst v2;
	v0 =	vadd.f32 v62, v0  }
0x2f: {  	s12 =	sadd.s32 $0x1, s12;
	[tilespmem:s13+$0x110] =	vst v3;
	v1 =	vadd.f32 v63, v1  }
0x30: {  	p0 =	sne.s32 s12, s7;
	[tilespmem:s13+$0x120] =	vst v0  }
.Ltmp1:
0x31: {  	[tilespmem:s13+$0x130] =	vst v1;
	(pc) =	sbr.rel @p0 .LBB2_1-.Ltmp1, $4  }
0x32: {  	[hbm4b:s6+s3] =	stream.linear.scatter [tilespmem:s9], [sflag:$0x2], $0x4000, $0x38;
	[tilespmem:$0x8100] =	vst v63  }
0x33: {  	_ =	swait.ge [sflag:s8], $0x4000  }
0x34: {  	[sflag:s8] =	ssyncset.done $0x0  }
0x35: {  	[sflag:s8] =	ssyncadd.s32 $0xFFFFC000  }
0x36: {  	_ =	sfence.sel $0x180000  }
0x37: {  	[bflag:$0x0] =	sbarrier.arrive $0xFFFF  }
0x38: {  	p0 =	sne.s32 s2, $0x0;
	_ =	strace $0x90000047  }
0x39: {  	s0 =	sadd.s32 @!p0 $0x100000, s0;
	[bflag:$0x2] =	sbarrier.arrive $0xFFFF  }
0x3a: {  	[sflag:s0] =	ssyncadd.tile.s32 @!p0 $0x1;
	_ =	shalt  }
.Lfunc_end2:
_tile_overlayer_lowered:
.L_overlay_start_2:
0x3b: {  	(tag) =	ssettag $0x2  }
0x3c: {  	s0 =	rddreg [dreg:$0x0];
	s2 =	stileid.u32  }
0x3d: {  	s1 =	rddreg [dreg:$0x1];
	p0 =	sne.s32 s2, $0x0  }
0x3e: {  	s3 =	rddreg [dreg:$0x2];
	[bflag:$0x3] =	sbarrier.arrive $0xFFFF;
	s2 =	simm.s32 @!p0 $0x1C02  }
0x3f: {  	[timem:s3], [sflag:s2] =	dma.local @!p0 [hbm:s0], s1  }
0x40: {  	s0 =	simm.s32 @!p0 $0x2  }
0x41: {  	_ =	swait.ge @!p0 [sflag:s0], s1  }
0x42: {  	s1 =	ssub.s32 @!p0 $0x0, s1;
	[sflag:s0] =	ssyncset.done @!p0 $0x0  }
0x43: {  	[sflag:s0] =	ssyncadd.s32 @!p0 s1  }
0x44: {  	[bflag:$0x3] =	sbarrier.arrive $0xFFFF  }
0x45: {  	_ =	shalt  }

</sc_bundles>
